<compile_context>
chip_gen: v7x
topology: tpu7x:2x2x1
jax: 0.10.2.dev20260603
libtpu: 0.0.44.dev20260713+nightly
codegen_flags: <defaults>
</compile_context>

<pallas_src>
import functools

import jax
import jax.numpy as jnp
from jax import lax
from jax.experimental import pallas as pl
from jax.experimental.pallas import tpu as pltpu
from jax.experimental.pallas import tpu_sc as plsc


def _argmin_body(p_ref, w_ref, b_ref, cb_ref, idx_ref):
    p = p_ref[...]
    w = w_ref[...]
    b = b_ref[...]
    cb = cb_ref[...]
    d_lat = cb.shape[1]
    k = cb.shape[0]
    zg = jnp.dot(p, w, preferred_element_type=jnp.float32) + b
    ngrp = zg.shape[1] // d_lat
    cbm2 = cb * -2.0
    cb2 = jnp.sum(cb * cb, axis=1)[None, :]
    iota = lax.broadcasted_iota(jnp.int32, (zg.shape[0], k), 1)
    keys = lax.bitcast_convert_type(iota + jnp.int32(0x3F800000), jnp.float32)
    cols = []
    for g in range(ngrp):
        z = zg[:, g * d_lat:(g + 1) * d_lat]
        zcm2 = lax.dot_general(z, cbm2, (((1,), (1,)), ((), ())),
                               preferred_element_type=jnp.float32)
        row2 = jnp.sum(z * z, axis=1, keepdims=True)
        d = (row2 + zcm2) + cb2
        m = jnp.min(d, axis=1, keepdims=True)
        sel = jnp.min(jnp.where(d == m, keys, 2.0), axis=1, keepdims=True)
        cols.append(lax.bitcast_convert_type(sel, jnp.int32)
                    - jnp.int32(0x3F800000))
    idx_ref[...] = jnp.concatenate(cols, axis=1)


def kernel(x, W_enc, b_enc, codebook):
    B, T, H, W, C = x.shape
    PH = PW = 8
    F, D = W_enc.shape
    K = codebook.shape[0]
    hb, wb = H // PH, W // PW
    R = B * T * hb * wb

    FB = PH * wb * PW * C
    ND = wb * D
    xsf = x.reshape(B * T * hb, FB)
    Wr = W_enc.reshape(C, PH, PW, D).transpose(1, 2, 0, 3)
    eye = jnp.eye(wb, dtype=W_enc.dtype)
    W5 = (eye[None, :, None, :, None]
          * Wr.reshape(PH, 1, PW * C, 1, D)).reshape(FB, ND)
    b7 = jnp.tile(b_enc, wb).reshape(1, ND)

    BB = 280
    BR = BB * wb
    grid = (R // BR,)
    idx2d = pl.pallas_call(
        _argmin_body,
        grid=grid,
        in_specs=[
            pl.BlockSpec((BB, FB), lambda i: (i, 0)),
            pl.BlockSpec((FB, ND), lambda i: (0, 0)),
            pl.BlockSpec((1, ND), lambda i: (0, 0)),
            pl.BlockSpec((K, D), lambda i: (0, 0)),
        ],
        out_specs=pl.BlockSpec((BB, wb), lambda i: (i, 0)),
        out_shape=jax.ShapeDtypeStruct((B * T * hb, wb), jnp.int32),
    )(xsf, W5, b7, codebook)
    idx_flat = idx2d.reshape(R)

    DP = 128
    cb_pad = jnp.pad(codebook, ((0, 0), (0, DP - D)))
    info = plsc.get_sparse_core_info()
    NW = info.num_cores * info.num_subcores
    CH = 128
    n_ch = -(-R // (NW * CH))
    R_pad = NW * n_ch * CH
    idx_pad = jnp.pad(idx_flat, (0, R_pad - R)).reshape(NW, n_ch, CH)
    idx_pad = jnp.pad(idx_pad, ((0, 0), (0, 8 - n_ch), (0, 0)))
    rows_w = n_ch * CH

    mesh = plsc.VectorSubcoreMesh(core_axis_name="c", subcore_axis_name="s")

    @functools.partial(
        pl.kernel,
        mesh=mesh,
        out_type=jax.ShapeDtypeStruct((NW, rows_w, DP), jnp.float32),
        scratch_types=[
            pltpu.VMEM((8, CH), jnp.int32),
            pltpu.VMEM((rows_w, DP), jnp.float32),
            pltpu.SemaphoreType.DMA,
        ],
    )
    def _gather(cb_hbm, idx_hbm, out_hbm, idx_v, rows_v, sem):
        wid = lax.axis_index("s") * info.num_cores + lax.axis_index("c")
        pltpu.sync_copy(idx_hbm.at[wid], idx_v)
        copies = [
            pltpu.async_copy(cb_hbm.at[idx_v.at[j]],
                             rows_v.at[pl.ds(j * CH, CH)], sem)
            for j in range(n_ch)
        ]
        for cp in copies:
            cp.wait()
        pltpu.sync_copy(rows_v, out_hbm.at[wid])

    q_pad = _gather(cb_pad, idx_pad)

    quantized = q_pad.reshape(R_pad, DP)[:R, :D].reshape(B, T * hb * wb, D)
    indices = idx_flat.reshape(B, T * hb * wb)
    return quantized, indices

# --- scband reference (transcript-rebuilt; emitter-appended) ---
"""Pipeline reference for scband-quantizer-21139829031612 (READ-ONLY COPY).

The authoritative reference and input builder live on the scoring server;
editing this copy changes nothing except your own understanding.
"""

import jax, jax.numpy as jnp
import numpy as np

# Sign-language video windows: [B, T, H, W, C] with T=num_frames=25
B, T, H, W, C = 16, 25, 56, 56, 3
PH, PW = 8, 8          # spatial patch size of the encoder
CODE_DIM = 64          # latent / codebook embedding dim
K = 1024               # codebook_size
N_TOK = T * (H // PH) * (W // PW)  # 25 * 7 * 7 = 1225 tokens per sample


def setup_inputs(seed: int = 0) -> dict:
    key = jax.random.key(seed)
    k1, k2, k3 = jax.random.split(key, 3)
    x = jax.random.normal(k1, (B, T, H, W, C), dtype=jnp.float32)
    # learned encoder (patchify + linear projection, stands in for quantizer.encoder)
    W_enc = jax.random.normal(k2, (PH * PW * C, CODE_DIM), dtype=jnp.float32) * 0.05
    b_enc = jnp.zeros((CODE_DIM,), dtype=jnp.float32)
    # learned VQ codebook (quantizer.vq_vae embedding table)
    codebook = jax.random.normal(k3, (K, CODE_DIM), dtype=jnp.float32)
    return {"x": x, "W_enc": W_enc, "b_enc": b_enc, "codebook": codebook}


def reference(x, W_enc, b_enc, codebook):
    # quantize(): permute [B,T,H,W,C] -> [B,C,T,H,W], slice channels to encoder input size
    xp = jnp.transpose(x, (0, 4, 1, 2, 3))
    xp = xp[:, :C, :, :, :]
    b, c, t, h, w = xp.shape
    # encoder: non-overlapping spatial patchify per frame + linear projection to latent dim
    xp = xp.reshape(b, c, t, h // PH, PH, w // PW, PW)
    xp = jnp.transpose(xp, (0, 2, 3, 5, 1, 4, 6))  # [b, t, h', w', c, PH, PW]
    patches = xp.reshape(b, t * (h // PH) * (w // PW), c * PH * PW)
    z = patches @ W_enc + b_enc[None, None, :]  # [B, N_TOK, CODE_DIM]
    # vq_vae: nearest-codebook lookup via squared L2 distance
    flat = z.reshape(-1, CODE_DIM)
    d = (jnp.sum(flat * flat, axis=1, keepdims=True)
         - 2.0 * flat @ codebook.T
         + jnp.sum(codebook * codebook, axis=1)[None, :])
    indices = jnp.argmin(d, axis=1)                      # [B*N_TOK]
    q = jnp.take(codebook, indices, axis=0).reshape(z.shape)
    # straight-through estimator (standard VQ-VAE quantize output)
    quantized = z + jax.lax.stop_gradient(q - z)
    return quantized, indices.reshape(b, -1)

if __name__ == "__main__":
    import jax
    _d = setup_inputs()
    print(jax.jit(kernel)(*tuple(_d.values())))

</pallas_src>

<mosaic_0001>
#map = affine_map<(d0, d1) -> (0, 0)>
#map1 = affine_map<(d0, d1) -> (0, 0, 0)>
module attributes {stable_mosaic.version = 14 : i64} {
  func.func @_gather(%arg0: i32, %arg1: i32, %arg2: memref<1024x128xf32, #tpu.memory_space<hbm>>, %arg3: memref<32x8x128xi32, #tpu.memory_space<hbm>>, %arg4: memref<32x640x128xf32, #tpu.memory_space<hbm>>, %arg5: memref<8x128xi32, #tpu.memory_space<vmem>>, %arg6: memref<640x128xf32, #tpu.memory_space<vmem>>, %arg7: memref<!tpu.dma_semaphore, #tpu.memory_space<semaphore_mem>>) attributes {dimension_semantics = [#tpu.dimension_semantics<core_parallel>, #tpu.dimension_semantics<subcore_parallel>], iteration_bounds = array<i64: 2, 16>, scalar_prefetch = 0 : i64, scratch_operands = 3 : i64, tpu.core_type = #tpu.core_type<sc_vector_subcore>, window_params = [{transform_indices = #map}, {transform_indices = #map1}, {transform_indices = #map1}]} {
    %mul3A = arith.constant 2 : i32
    %mul3A_0 = arith.muli %arg1, %mul3A : i32
    %add3A = arith.addi %mul3A_0, %arg0 : i32
    "tpu.region"() ({
      %run_scoped3A = tpu.sem_alloc : memref<!tpu.dma_semaphore, #tpu.memory_space<semaphore_mem>>
      %dma_start3A_99 = arith.constant 0 : i32
      %dma_start3A_100 = arith.constant 0 : i32
      %dma_start3A_101 = tpu.memref_slice %arg3[%add3A, %dma_start3A_99, %dma_start3A_100] : memref<32x8x128xi32, #tpu.memory_space<hbm>> -> memref<1x8x128xi32, #tpu.memory_space<hbm>>
      %dma_start3A_102 = tpu.memref_squeeze %dma_start3A_101 : memref<1x8x128xi32, #tpu.memory_space<hbm>> -> memref<8x128xi32, #tpu.memory_space<hbm>>
      %dma_start3A_103 = arith.constant 0 : i32
      %dma_start3A_104 = arith.constant 0 : i32
      %dma_start3A_105 = tpu.memref_slice %arg3[%add3A, %dma_start3A_103, %dma_start3A_104] : memref<32x8x128xi32, #tpu.memory_space<hbm>> -> memref<1x8x128xi32, #tpu.memory_space<hbm>>
      %dma_start3A_106 = tpu.memref_squeeze %dma_start3A_105 : memref<1x8x128xi32, #tpu.memory_space<hbm>> -> memref<8x128xi32, #tpu.memory_space<hbm>>
      tpu.enqueue_dma source(%dma_start3A_106 : memref<8x128xi32, #tpu.memory_space<hbm>>) target(%arg5 : memref<8x128xi32, #tpu.memory_space<vmem>>) target_semaphore(%run_scoped3A : memref<!tpu.dma_semaphore, #tpu.memory_space<semaphore_mem>>)
      %dma_wait3A_107 = arith.constant 0 : i32
      %dma_wait3A_108 = arith.constant 0 : i32
      %dma_wait3A_109 = tpu.memref_slice %arg3[%add3A, %dma_wait3A_107, %dma_wait3A_108] : memref<32x8x128xi32, #tpu.memory_space<hbm>> -> memref<1x8x128xi32, #tpu.memory_space<hbm>>
      %dma_wait3A_110 = tpu.memref_squeeze %dma_wait3A_109 : memref<1x8x128xi32, #tpu.memory_space<hbm>> -> memref<8x128xi32, #tpu.memory_space<hbm>>
      %dma_wait3A_111 = arith.constant 0 : i32
      %dma_wait3A_112 = arith.constant 0 : i32
      %dma_wait3A_113 = tpu.memref_slice %arg3[%add3A, %dma_wait3A_111, %dma_wait3A_112] : memref<32x8x128xi32, #tpu.memory_space<hbm>> -> memref<1x8x128xi32, #tpu.memory_space<hbm>>
      %dma_wait3A_114 = tpu.memref_squeeze %dma_wait3A_113 : memref<1x8x128xi32, #tpu.memory_space<hbm>> -> memref<8x128xi32, #tpu.memory_space<hbm>>
      tpu.wait_dma2 semaphore(%run_scoped3A : memref<!tpu.dma_semaphore, #tpu.memory_space<semaphore_mem>>) src(%dma_wait3A_114 : memref<8x128xi32, #tpu.memory_space<hbm>>) dst(%arg5 : memref<8x128xi32, #tpu.memory_space<vmem>>)
      tpu.yield
    }) : () -> ()
    %dma_start3A = arith.constant 0 : i32
    %dma_start3A_1 = arith.constant 0 : i32
    %dma_start3A_2 = arith.constant 0 : i32
    %dma_start3A_3 = tpu.memref_slice %arg6[%dma_start3A_1, %dma_start3A_2] : memref<640x128xf32, #tpu.memory_space<vmem>> -> memref<128x128xf32, #tpu.memory_space<vmem>>
    %dma_start3A_4 = arith.constant 0 : i32
    %dma_start3A_5 = tpu.memref_slice %arg5[%dma_start3A, %dma_start3A_4] : memref<8x128xi32, #tpu.memory_space<vmem>> -> memref<1x128xi32, #tpu.memory_space<vmem>>
    %dma_start3A_6 = tpu.memref_squeeze %dma_start3A_5 : memref<1x128xi32, #tpu.memory_space<vmem>> -> memref<128xi32, #tpu.memory_space<vmem>>
    %dma_start3A_7 = arith.constant 0 : i32
    %dma_start3A_8 = arith.constant 0 : i32
    %dma_start3A_9 = tpu.memref_slice %arg2[%dma_start3A_7, %dma_start3A_8] : memref<1024x128xf32, #tpu.memory_space<hbm>> -> memref<1024x128xf32, #tpu.memory_space<hbm>>
    tpu.enqueue_indirect_dma source(%dma_start3A_9 : memref<1024x128xf32, #tpu.memory_space<hbm>>) target(%dma_start3A_3 : memref<128x128xf32, #tpu.memory_space<vmem>>) offsets(%dma_start3A_6 : memref<128xi32, #tpu.memory_space<vmem>>) semaphore(%arg7 : memref<!tpu.dma_semaphore, #tpu.memory_space<semaphore_mem>>)
    %dma_start3A_10 = arith.constant 1 : i32
    %dma_start3A_11 = arith.constant 128 : i32
    %dma_start3A_12 = arith.constant 0 : i32
    %dma_start3A_13 = tpu.memref_slice %arg6[%dma_start3A_11, %dma_start3A_12] : memref<640x128xf32, #tpu.memory_space<vmem>> -> memref<128x128xf32, #tpu.memory_space<vmem>>
    %dma_start3A_14 = arith.constant 0 : i32
    %dma_start3A_15 = tpu.memref_slice %arg5[%dma_start3A_10, %dma_start3A_14] : memref<8x128xi32, #tpu.memory_space<vmem>> -> memref<1x128xi32, #tpu.memory_space<vmem>>
    %dma_start3A_16 = tpu.memref_squeeze %dma_start3A_15 : memref<1x128xi32, #tpu.memory_space<vmem>> -> memref<128xi32, #tpu.memory_space<vmem>>
    %dma_start3A_17 = arith.constant 0 : i32
    %dma_start3A_18 = arith.constant 0 : i32
    %dma_start3A_19 = tpu.memref_slice %arg2[%dma_start3A_17, %dma_start3A_18] : memref<1024x128xf32, #tpu.memory_space<hbm>> -> memref<1024x128xf32, #tpu.memory_space<hbm>>
    tpu.enqueue_indirect_dma source(%dma_start3A_19 : memref<1024x128xf32, #tpu.memory_space<hbm>>) target(%dma_start3A_13 : memref<128x128xf32, #tpu.memory_space<vmem>>) offsets(%dma_start3A_16 : memref<128xi32, #tpu.memory_space<vmem>>) semaphore(%arg7 : memref<!tpu.dma_semaphore, #tpu.memory_space<semaphore_mem>>)
    %dma_start3A_20 = arith.constant 2 : i32
    %dma_start3A_21 = arith.constant 256 : i32
    %dma_start3A_22 = arith.constant 0 : i32
    %dma_start3A_23 = tpu.memref_slice %arg6[%dma_start3A_21, %dma_start3A_22] : memref<640x128xf32, #tpu.memory_space<vmem>> -> memref<128x128xf32, #tpu.memory_space<vmem>>
    %dma_start3A_24 = arith.constant 0 : i32
    %dma_start3A_25 = tpu.memref_slice %arg5[%dma_start3A_20, %dma_start3A_24] : memref<8x128xi32, #tpu.memory_space<vmem>> -> memref<1x128xi32, #tpu.memory_space<vmem>>
    %dma_start3A_26 = tpu.memref_squeeze %dma_start3A_25 : memref<1x128xi32, #tpu.memory_space<vmem>> -> memref<128xi32, #tpu.memory_space<vmem>>
    %dma_start3A_27 = arith.constant 0 : i32
    %dma_start3A_28 = arith.constant 0 : i32
    %dma_start3A_29 = tpu.memref_slice %arg2[%dma_start3A_27, %dma_start3A_28] : memref<1024x128xf32, #tpu.memory_space<hbm>> -> memref<1024x128xf32, #tpu.memory_space<hbm>>
    tpu.enqueue_indirect_dma source(%dma_start3A_29 : memref<1024x128xf32, #tpu.memory_space<hbm>>) target(%dma_start3A_23 : memref<128x128xf32, #tpu.memory_space<vmem>>) offsets(%dma_start3A_26 : memref<128xi32, #tpu.memory_space<vmem>>) semaphore(%arg7 : memref<!tpu.dma_semaphore, #tpu.memory_space<semaphore_mem>>)
    %dma_start3A_30 = arith.constant 3 : i32
    %dma_start3A_31 = arith.constant 384 : i32
    %dma_start3A_32 = arith.constant 0 : i32
    %dma_start3A_33 = tpu.memref_slice %arg6[%dma_start3A_31, %dma_start3A_32] : memref<640x128xf32, #tpu.memory_space<vmem>> -> memref<128x128xf32, #tpu.memory_space<vmem>>
    %dma_start3A_34 = arith.constant 0 : i32
    %dma_start3A_35 = tpu.memref_slice %arg5[%dma_start3A_30, %dma_start3A_34] : memref<8x128xi32, #tpu.memory_space<vmem>> -> memref<1x128xi32, #tpu.memory_space<vmem>>
    %dma_start3A_36 = tpu.memref_squeeze %dma_start3A_35 : memref<1x128xi32, #tpu.memory_space<vmem>> -> memref<128xi32, #tpu.memory_space<vmem>>
    %dma_start3A_37 = arith.constant 0 : i32
    %dma_start3A_38 = arith.constant 0 : i32
    %dma_start3A_39 = tpu.memref_slice %arg2[%dma_start3A_37, %dma_start3A_38] : memref<1024x128xf32, #tpu.memory_space<hbm>> -> memref<1024x128xf32, #tpu.memory_space<hbm>>
    tpu.enqueue_indirect_dma source(%dma_start3A_39 : memref<1024x128xf32, #tpu.memory_space<hbm>>) target(%dma_start3A_33 : memref<128x128xf32, #tpu.memory_space<vmem>>) offsets(%dma_start3A_36 : memref<128xi32, #tpu.memory_space<vmem>>) semaphore(%arg7 : memref<!tpu.dma_semaphore, #tpu.memory_space<semaphore_mem>>)
    %dma_start3A_40 = arith.constant 4 : i32
    %dma_start3A_41 = arith.constant 512 : i32
    %dma_start3A_42 = arith.constant 0 : i32
    %dma_start3A_43 = tpu.memref_slice %arg6[%dma_start3A_41, %dma_start3A_42] : memref<640x128xf32, #tpu.memory_space<vmem>> -> memref<128x128xf32, #tpu.memory_space<vmem>>
    %dma_start3A_44 = arith.constant 0 : i32
    %dma_start3A_45 = tpu.memref_slice %arg5[%dma_start3A_40, %dma_start3A_44] : memref<8x128xi32, #tpu.memory_space<vmem>> -> memref<1x128xi32, #tpu.memory_space<vmem>>
    %dma_start3A_46 = tpu.memref_squeeze %dma_start3A_45 : memref<1x128xi32, #tpu.memory_space<vmem>> -> memref<128xi32, #tpu.memory_space<vmem>>
    %dma_start3A_47 = arith.constant 0 : i32
    %dma_start3A_48 = arith.constant 0 : i32
    %dma_start3A_49 = tpu.memref_slice %arg2[%dma_start3A_47, %dma_start3A_48] : memref<1024x128xf32, #tpu.memory_space<hbm>> -> memref<1024x128xf32, #tpu.memory_space<hbm>>
    tpu.enqueue_indirect_dma source(%dma_start3A_49 : memref<1024x128xf32, #tpu.memory_space<hbm>>) target(%dma_start3A_43 : memref<128x128xf32, #tpu.memory_space<vmem>>) offsets(%dma_start3A_46 : memref<128xi32, #tpu.memory_space<vmem>>) semaphore(%arg7 : memref<!tpu.dma_semaphore, #tpu.memory_space<semaphore_mem>>)
    %dma_wait3A = arith.constant 0 : i32
    %dma_wait3A_50 = arith.constant 0 : i32
    %dma_wait3A_51 = arith.constant 0 : i32
    %dma_wait3A_52 = tpu.memref_slice %arg6[%dma_wait3A_50, %dma_wait3A_51] : memref<640x128xf32, #tpu.memory_space<vmem>> -> memref<128x128xf32, #tpu.memory_space<vmem>>
    %dma_wait3A_53 = arith.constant 0 : i32
    %dma_wait3A_54 = tpu.memref_slice %arg5[%dma_wait3A, %dma_wait3A_53] : memref<8x128xi32, #tpu.memory_space<vmem>> -> memref<1x128xi32, #tpu.memory_space<vmem>>
    %dma_wait3A_55 = tpu.memref_squeeze %dma_wait3A_54 : memref<1x128xi32, #tpu.memory_space<vmem>> -> memref<128xi32, #tpu.memory_space<vmem>>
    %dma_wait3A_56 = arith.constant 0 : i32
    %dma_wait3A_57 = arith.constant 0 : i32
    %dma_wait3A_58 = tpu.memref_slice %arg2[%dma_wait3A_56, %dma_wait3A_57] : memref<1024x128xf32, #tpu.memory_space<hbm>> -> memref<1024x128xf32, #tpu.memory_space<hbm>>
    tpu.wait_indirect_dma semaphore(%arg7 : memref<!tpu.dma_semaphore, #tpu.memory_space<semaphore_mem>>) src(%dma_wait3A_58 : memref<1024x128xf32, #tpu.memory_space<hbm>>) dst(%dma_wait3A_52 : memref<128x128xf32, #tpu.memory_space<vmem>>)
    %dma_wait3A_59 = arith.constant 1 : i32
    %dma_wait3A_60 = arith.constant 128 : i32
    %dma_wait3A_61 = arith.constant 0 : i32
    %dma_wait3A_62 = tpu.memref_slice %arg6[%dma_wait3A_60, %dma_wait3A_61] : memref<640x128xf32, #tpu.memory_space<vmem>> -> memref<128x128xf32, #tpu.memory_space<vmem>>
    %dma_wait3A_63 = arith.constant 0 : i32
    %dma_wait3A_64 = tpu.memref_slice %arg5[%dma_wait3A_59, %dma_wait3A_63] : memref<8x128xi32, #tpu.memory_space<vmem>> -> memref<1x128xi32, #tpu.memory_space<vmem>>
    %dma_wait3A_65 = tpu.memref_squeeze %dma_wait3A_64 : memref<1x128xi32, #tpu.memory_space<vmem>> -> memref<128xi32, #tpu.memory_space<vmem>>
    %dma_wait3A_66 = arith.constant 0 : i32
    %dma_wait3A_67 = arith.constant 0 : i32
    %dma_wait3A_68 = tpu.memref_slice %arg2[%dma_wait3A_66, %dma_wait3A_67] : memref<1024x128xf32, #tpu.memory_space<hbm>> -> memref<1024x128xf32, #tpu.memory_space<hbm>>
    tpu.wait_indirect_dma semaphore(%arg7 : memref<!tpu.dma_semaphore, #tpu.memory_space<semaphore_mem>>) src(%dma_wait3A_68 : memref<1024x128xf32, #tpu.memory_space<hbm>>) dst(%dma_wait3A_62 : memref<128x128xf32, #tpu.memory_space<vmem>>)
    %dma_wait3A_69 = arith.constant 2 : i32
    %dma_wait3A_70 = arith.constant 256 : i32
    %dma_wait3A_71 = arith.constant 0 : i32
    %dma_wait3A_72 = tpu.memref_slice %arg6[%dma_wait3A_70, %dma_wait3A_71] : memref<640x128xf32, #tpu.memory_space<vmem>> -> memref<128x128xf32, #tpu.memory_space<vmem>>
    %dma_wait3A_73 = arith.constant 0 : i32
    %dma_wait3A_74 = tpu.memref_slice %arg5[%dma_wait3A_69, %dma_wait3A_73] : memref<8x128xi32, #tpu.memory_space<vmem>> -> memref<1x128xi32, #tpu.memory_space<vmem>>
    %dma_wait3A_75 = tpu.memref_squeeze %dma_wait3A_74 : memref<1x128xi32, #tpu.memory_space<vmem>> -> memref<128xi32, #tpu.memory_space<vmem>>
    %dma_wait3A_76 = arith.constant 0 : i32
    %dma_wait3A_77 = arith.constant 0 : i32
    %dma_wait3A_78 = tpu.memref_slice %arg2[%dma_wait3A_76, %dma_wait3A_77] : memref<1024x128xf32, #tpu.memory_space<hbm>> -> memref<1024x128xf32, #tpu.memory_space<hbm>>
    tpu.wait_indirect_dma semaphore(%arg7 : memref<!tpu.dma_semaphore, #tpu.memory_space<semaphore_mem>>) src(%dma_wait3A_78 : memref<1024x128xf32, #tpu.memory_space<hbm>>) dst(%dma_wait3A_72 : memref<128x128xf32, #tpu.memory_space<vmem>>)
    %dma_wait3A_79 = arith.constant 3 : i32
    %dma_wait3A_80 = arith.constant 384 : i32
    %dma_wait3A_81 = arith.constant 0 : i32
    %dma_wait3A_82 = tpu.memref_slice %arg6[%dma_wait3A_80, %dma_wait3A_81] : memref<640x128xf32, #tpu.memory_space<vmem>> -> memref<128x128xf32, #tpu.memory_space<vmem>>
    %dma_wait3A_83 = arith.constant 0 : i32
    %dma_wait3A_84 = tpu.memref_slice %arg5[%dma_wait3A_79, %dma_wait3A_83] : memref<8x128xi32, #tpu.memory_space<vmem>> -> memref<1x128xi32, #tpu.memory_space<vmem>>
    %dma_wait3A_85 = tpu.memref_squeeze %dma_wait3A_84 : memref<1x128xi32, #tpu.memory_space<vmem>> -> memref<128xi32, #tpu.memory_space<vmem>>
    %dma_wait3A_86 = arith.constant 0 : i32
    %dma_wait3A_87 = arith.constant 0 : i32
    %dma_wait3A_88 = tpu.memref_slice %arg2[%dma_wait3A_86, %dma_wait3A_87] : memref<1024x128xf32, #tpu.memory_space<hbm>> -> memref<1024x128xf32, #tpu.memory_space<hbm>>
    tpu.wait_indirect_dma semaphore(%arg7 : memref<!tpu.dma_semaphore, #tpu.memory_space<semaphore_mem>>) src(%dma_wait3A_88 : memref<1024x128xf32, #tpu.memory_space<hbm>>) dst(%dma_wait3A_82 : memref<128x128xf32, #tpu.memory_space<vmem>>)
    %dma_wait3A_89 = arith.constant 4 : i32
    %dma_wait3A_90 = arith.constant 512 : i32
    %dma_wait3A_91 = arith.constant 0 : i32
    %dma_wait3A_92 = tpu.memref_slice %arg6[%dma_wait3A_90, %dma_wait3A_91] : memref<640x128xf32, #tpu.memory_space<vmem>> -> memref<128x128xf32, #tpu.memory_space<vmem>>
    %dma_wait3A_93 = arith.constant 0 : i32
    %dma_wait3A_94 = tpu.memref_slice %arg5[%dma_wait3A_89, %dma_wait3A_93] : memref<8x128xi32, #tpu.memory_space<vmem>> -> memref<1x128xi32, #tpu.memory_space<vmem>>
    %dma_wait3A_95 = tpu.memref_squeeze %dma_wait3A_94 : memref<1x128xi32, #tpu.memory_space<vmem>> -> memref<128xi32, #tpu.memory_space<vmem>>
    %dma_wait3A_96 = arith.constant 0 : i32
    %dma_wait3A_97 = arith.constant 0 : i32
    %dma_wait3A_98 = tpu.memref_slice %arg2[%dma_wait3A_96, %dma_wait3A_97] : memref<1024x128xf32, #tpu.memory_space<hbm>> -> memref<1024x128xf32, #tpu.memory_space<hbm>>
    tpu.wait_indirect_dma semaphore(%arg7 : memref<!tpu.dma_semaphore, #tpu.memory_space<semaphore_mem>>) src(%dma_wait3A_98 : memref<1024x128xf32, #tpu.memory_space<hbm>>) dst(%dma_wait3A_92 : memref<128x128xf32, #tpu.memory_space<vmem>>)
    "tpu.region"() ({
      %run_scoped3A = tpu.sem_alloc : memref<!tpu.dma_semaphore, #tpu.memory_space<semaphore_mem>>
      %dma_start3A_99 = arith.constant 0 : i32
      %dma_start3A_100 = arith.constant 0 : i32
      %dma_start3A_101 = tpu.memref_slice %arg4[%add3A, %dma_start3A_99, %dma_start3A_100] : memref<32x640x128xf32, #tpu.memory_space<hbm>> -> memref<1x640x128xf32, #tpu.memory_space<hbm>>
      %dma_start3A_102 = tpu.memref_squeeze %dma_start3A_101 : memref<1x640x128xf32, #tpu.memory_space<hbm>> -> memref<640x128xf32, #tpu.memory_space<hbm>>
      %dma_start3A_103 = arith.constant 0 : i32
      %dma_start3A_104 = arith.constant 0 : i32
      %dma_start3A_105 = tpu.memref_slice %arg4[%add3A, %dma_start3A_103, %dma_start3A_104] : memref<32x640x128xf32, #tpu.memory_space<hbm>> -> memref<1x640x128xf32, #tpu.memory_space<hbm>>
      %dma_start3A_106 = tpu.memref_squeeze %dma_start3A_105 : memref<1x640x128xf32, #tpu.memory_space<hbm>> -> memref<640x128xf32, #tpu.memory_space<hbm>>
      tpu.enqueue_dma source(%arg6 : memref<640x128xf32, #tpu.memory_space<vmem>>) target(%dma_start3A_106 : memref<640x128xf32, #tpu.memory_space<hbm>>) target_semaphore(%run_scoped3A : memref<!tpu.dma_semaphore, #tpu.memory_space<semaphore_mem>>)
      %dma_wait3A_107 = arith.constant 0 : i32
      %dma_wait3A_108 = arith.constant 0 : i32
      %dma_wait3A_109 = tpu.memref_slice %arg4[%add3A, %dma_wait3A_107, %dma_wait3A_108] : memref<32x640x128xf32, #tpu.memory_space<hbm>> -> memref<1x640x128xf32, #tpu.memory_space<hbm>>
      %dma_wait3A_110 = tpu.memref_squeeze %dma_wait3A_109 : memref<1x640x128xf32, #tpu.memory_space<hbm>> -> memref<640x128xf32, #tpu.memory_space<hbm>>
      %dma_wait3A_111 = arith.constant 0 : i32
      %dma_wait3A_112 = arith.constant 0 : i32
      %dma_wait3A_113 = tpu.memref_slice %arg4[%add3A, %dma_wait3A_111, %dma_wait3A_112] : memref<32x640x128xf32, #tpu.memory_space<hbm>> -> memref<1x640x128xf32, #tpu.memory_space<hbm>>
      %dma_wait3A_114 = tpu.memref_squeeze %dma_wait3A_113 : memref<1x640x128xf32, #tpu.memory_space<hbm>> -> memref<640x128xf32, #tpu.memory_space<hbm>>
      tpu.wait_dma2 semaphore(%run_scoped3A : memref<!tpu.dma_semaphore, #tpu.memory_space<semaphore_mem>>) src(%arg6 : memref<640x128xf32, #tpu.memory_space<vmem>>) dst(%dma_wait3A_114 : memref<640x128xf32, #tpu.memory_space<hbm>>)
      tpu.yield
    }) : () -> ()
    return
  }
}

module attributes {stable_mosaic.version = 14 : i64} {
  func.func @_argmin_body(%arg0: i32, %arg1: memref<280x1344xf32, #tpu.memory_space<vmem>>, %arg2: memref<1344x448xf32, #tpu.memory_space<vmem>>, %arg3: memref<1x448xf32, #tpu.memory_space<vmem>>, %arg4: memref<1024x64xf32, #tpu.memory_space<vmem>>, %arg5: memref<280x7xi32, #tpu.memory_space<vmem>>) attributes {dimension_semantics = [#tpu.dimension_semantics<arbitrary>], iteration_bounds = array<i64: 10>, scalar_prefetch = 0 : i64, scratch_operands = 0 : i64, tpu.core_type = #tpu.core_type<tc>, window_params = [{transform_indices = @transform_0, window_bounds = array<i64: 280, 1344>}, {pipeline_mode = #tpu.pipeline_mode<synchronous>, transform_indices = @transform_1, window_bounds = array<i64: 1344, 448>}, {pipeline_mode = #tpu.pipeline_mode<synchronous>, transform_indices = @transform_2, window_bounds = array<i64: 1, 448>}, {pipeline_mode = #tpu.pipeline_mode<synchronous>, transform_indices = @transform_3, window_bounds = array<i64: 1024, 64>}, {transform_indices = @transform_4, window_bounds = array<i64: 280, 7>}]} {
    %get3A = arith.constant 0 : index
    %get3A_0 = arith.constant 0 : index
    %get3A_1 = vector.load %arg1[%get3A, %get3A_0] : memref<280x1344xf32, #tpu.memory_space<vmem>>, vector<280x1344xf32>
    %get3A_2 = arith.constant 0 : index
    %get3A_3 = arith.constant 0 : index
    %get3A_4 = vector.load %arg2[%get3A_2, %get3A_3] : memref<1344x448xf32, #tpu.memory_space<vmem>>, vector<1344x448xf32>
    %get3A_5 = arith.constant 0 : index
    %get3A_6 = arith.constant 0 : index
    %get3A_7 = vector.load %arg3[%get3A_5, %get3A_6] : memref<1x448xf32, #tpu.memory_space<vmem>>, vector<1x448xf32>
    %get3A_8 = arith.constant 0 : index
    %get3A_9 = arith.constant 0 : index
    %get3A_10 = vector.load %arg4[%get3A_8, %get3A_9] : memref<1024x64xf32, #tpu.memory_space<vmem>>, vector<1024x64xf32>
    %dot_general3A = arith.constant dense<0.000000e+00> : vector<280x448xf32>
    %dot_general3A_11 = tpu.matmul %get3A_1, %get3A_4, %dot_general3A {dimension_numbers = #tpu.dot_dimension_numbers<[1], [0], [0], [1], [0, 0, 1, 1], [], []>, transpose_lhs_hint = false} : vector<280x1344xf32>, vector<1344x448xf32>, vector<280x448xf32> -> vector<280x448xf32>
    %add3A = vector.broadcast %get3A_7 : vector<1x448xf32> to vector<280x448xf32>
    %add3A_12 = arith.addf %dot_general3A_11, %add3A : vector<280x448xf32>
    %mul3A = arith.constant -2.000000e+00 : f32
    %mul3A_13 = vector.broadcast %mul3A : f32 to vector<1024x64xf32>
    %mul3A_14 = arith.mulf %get3A_10, %mul3A_13 : vector<1024x64xf32>
    %mul3A_15 = arith.mulf %get3A_10, %get3A_10 : vector<1024x64xf32>
    %reduce_sum3A = arith.constant dense<0.000000e+00> : vector<1024xf32>
    %reduce_sum3A_16 = vector.multi_reduction <add>, %mul3A_15, %reduce_sum3A [1] : vector<1024x64xf32> to vector<1024xf32>
    %broadcast_in_dim3A = vector.shape_cast %reduce_sum3A_16 : vector<1024xf32> to vector<1x1024xf32>
    %iota3A = tpu.iota {dimensions = array<i32: 1>} : vector<280x1024xi32>
    %add3A_17 = arith.constant 1065353216 : i32
    %add3A_18 = vector.broadcast %add3A_17 : i32 to vector<280x1024xi32>
    %add3A_19 = arith.addi %iota3A, %add3A_18 : vector<280x1024xi32>
    %bitcast_convert_type3A = tpu.bitcast %add3A_19 : vector<280x1024xi32> -> vector<280x1024xf32>
    %slice3A = vector.extract_strided_slice %add3A_12 {offsets = [0, 0], sizes = [280, 64], strides = [1, 1]} : vector<280x448xf32> to vector<280x64xf32>
    %dot_general3A_20 = arith.constant dense<0.000000e+00> : vector<280x1024xf32>
    %dot_general3A_21 = tpu.matmul %slice3A, %mul3A_14, %dot_general3A_20 {dimension_numbers = #tpu.dot_dimension_numbers<[1], [1], [0], [0], [0, 0, 1, 0], [], []>, transpose_lhs_hint = false} : vector<280x64xf32>, vector<1024x64xf32>, vector<280x1024xf32> -> vector<280x1024xf32>
    %mul3A_22 = arith.mulf %slice3A, %slice3A : vector<280x64xf32>
    %reduce_sum3A_23 = arith.constant dense<0.000000e+00> : vector<280xf32>
    %reduce_sum3A_24 = vector.multi_reduction <add>, %mul3A_22, %reduce_sum3A_23 [1] : vector<280x64xf32> to vector<280xf32>
    %broadcast_in_dim3A_25 = vector.shape_cast %reduce_sum3A_24 : vector<280xf32> to vector<280x1xf32>
    %add3A_26 = vector.broadcast %broadcast_in_dim3A_25 : vector<280x1xf32> to vector<280x1024xf32>
    %add3A_27 = arith.addf %add3A_26, %dot_general3A_21 : vector<280x1024xf32>
    %add3A_28 = vector.broadcast %broadcast_in_dim3A : vector<1x1024xf32> to vector<280x1024xf32>
    %add3A_29 = arith.addf %add3A_27, %add3A_28 : vector<280x1024xf32>
    %reduce_min3A = arith.constant dense<0x7F800000> : vector<280xf32>
    %reduce_min3A_30 = vector.multi_reduction <minimumf>, %add3A_29, %reduce_min3A [1] : vector<280x1024xf32> to vector<280xf32>
    %broadcast_in_dim3A_31 = vector.shape_cast %reduce_min3A_30 : vector<280xf32> to vector<280x1xf32>
    %eq3A = vector.broadcast %broadcast_in_dim3A_31 : vector<280x1xf32> to vector<280x1024xf32>
    %eq3A_32 = arith.cmpf oeq, %add3A_29, %eq3A : vector<280x1024xf32>
    %jit3A = arith.constant 2.000000e+00 : f32
    %broadcast_in_dim3A_33 = vector.broadcast %jit3A : f32 to vector<280x1024xf32>
    %select_n3A = arith.select %eq3A_32, %bitcast_convert_type3A, %broadcast_in_dim3A_33 : vector<280x1024xi1>, vector<280x1024xf32>
    %reduce_min3A_34 = arith.constant dense<0x7F800000> : vector<280xf32>
    %reduce_min3A_35 = vector.multi_reduction <minimumf>, %select_n3A, %reduce_min3A_34 [1] : vector<280x1024xf32> to vector<280xf32>
    %broadcast_in_dim3A_36 = vector.shape_cast %reduce_min3A_35 : vector<280xf32> to vector<280x1xf32>
    %bitcast_convert_type3A_37 = tpu.bitcast %broadcast_in_dim3A_36 : vector<280x1xf32> -> vector<280x1xi32>
    %sub3A = arith.constant 1065353216 : i32
    %sub3A_38 = vector.broadcast %sub3A : i32 to vector<280x1xi32>
    %sub3A_39 = arith.subi %bitcast_convert_type3A_37, %sub3A_38 : vector<280x1xi32>
    %slice3A_40 = vector.extract_strided_slice %add3A_12 {offsets = [0, 64], sizes = [280, 64], strides = [1, 1]} : vector<280x448xf32> to vector<280x64xf32>
    %dot_general3A_41 = arith.constant dense<0.000000e+00> : vector<280x1024xf32>
    %dot_general3A_42 = tpu.matmul %slice3A_40, %mul3A_14, %dot_general3A_41 {dimension_numbers = #tpu.dot_dimension_numbers<[1], [1], [0], [0], [0, 0, 1, 0], [], []>, transpose_lhs_hint = false} : vector<280x64xf32>, vector<1024x64xf32>, vector<280x1024xf32> -> vector<280x1024xf32>
    %mul3A_43 = arith.mulf %slice3A_40, %slice3A_40 : vector<280x64xf32>
    %reduce_sum3A_44 = arith.constant dense<0.000000e+00> : vector<280xf32>
    %reduce_sum3A_45 = vector.multi_reduction <add>, %mul3A_43, %reduce_sum3A_44 [1] : vector<280x64xf32> to vector<280xf32>
    %broadcast_in_dim3A_46 = vector.shape_cast %reduce_sum3A_45 : vector<280xf32> to vector<280x1xf32>
    %add3A_47 = vector.broadcast %broadcast_in_dim3A_46 : vector<280x1xf32> to vector<280x1024xf32>
    %add3A_48 = arith.addf %add3A_47, %dot_general3A_42 : vector<280x1024xf32>
    %add3A_49 = vector.broadcast %broadcast_in_dim3A : vector<1x1024xf32> to vector<280x1024xf32>
    %add3A_50 = arith.addf %add3A_48, %add3A_49 : vector<280x1024xf32>
    %reduce_min3A_51 = arith.constant dense<0x7F800000> : vector<280xf32>
    %reduce_min3A_52 = vector.multi_reduction <minimumf>, %add3A_50, %reduce_min3A_51 [1] : vector<280x1024xf32> to vector<280xf32>
    %broadcast_in_dim3A_53 = vector.shape_cast %reduce_min3A_52 : vector<280xf32> to vector<280x1xf32>
    %eq3A_54 = vector.broadcast %broadcast_in_dim3A_53 : vector<280x1xf32> to vector<280x1024xf32>
    %eq3A_55 = arith.cmpf oeq, %add3A_50, %eq3A_54 : vector<280x1024xf32>
    %jit3A_56 = arith.constant 2.000000e+00 : f32
    %broadcast_in_dim3A_57 = vector.broadcast %jit3A_56 : f32 to vector<280x1024xf32>
    %select_n3A_58 = arith.select %eq3A_55, %bitcast_convert_type3A, %broadcast_in_dim3A_57 : vector<280x1024xi1>, vector<280x1024xf32>
    %reduce_min3A_59 = arith.constant dense<0x7F800000> : vector<280xf32>
    %reduce_min3A_60 = vector.multi_reduction <minimumf>, %select_n3A_58, %reduce_min3A_59 [1] : vector<280x1024xf32> to vector<280xf32>
    %broadcast_in_dim3A_61 = vector.shape_cast %reduce_min3A_60 : vector<280xf32> to vector<280x1xf32>
    %bitcast_convert_type3A_62 = tpu.bitcast %broadcast_in_dim3A_61 : vector<280x1xf32> -> vector<280x1xi32>
    %sub3A_63 = arith.constant 1065353216 : i32
    %sub3A_64 = vector.broadcast %sub3A_63 : i32 to vector<280x1xi32>
    %sub3A_65 = arith.subi %bitcast_convert_type3A_62, %sub3A_64 : vector<280x1xi32>
    %slice3A_66 = vector.extract_strided_slice %add3A_12 {offsets = [0, 128], sizes = [280, 64], strides = [1, 1]} : vector<280x448xf32> to vector<280x64xf32>
    %dot_general3A_67 = arith.constant dense<0.000000e+00> : vector<280x1024xf32>
    %dot_general3A_68 = tpu.matmul %slice3A_66, %mul3A_14, %dot_general3A_67 {dimension_numbers = #tpu.dot_dimension_numbers<[1], [1], [0], [0], [0, 0, 1, 0], [], []>, transpose_lhs_hint = false} : vector<280x64xf32>, vector<1024x64xf32>, vector<280x1024xf32> -> vector<280x1024xf32>
    %mul3A_69 = arith.mulf %slice3A_66, %slice3A_66 : vector<280x64xf32>
    %reduce_sum3A_70 = arith.constant dense<0.000000e+00> : vector<280xf32>
    %reduce_sum3A_71 = vector.multi_reduction <add>, %mul3A_69, %reduce_sum3A_70 [1] : vector<280x64xf32> to vector<280xf32>
    %broadcast_in_dim3A_72 = vector.shape_cast %reduce_sum3A_71 : vector<280xf32> to vector<280x1xf32>
    %add3A_73 = vector.broadcast %broadcast_in_dim3A_72 : vector<280x1xf32> to vector<280x1024xf32>
    %add3A_74 = arith.addf %add3A_73, %dot_general3A_68 : vector<280x1024xf32>
    %add3A_75 = vector.broadcast %broadcast_in_dim3A : vector<1x1024xf32> to vector<280x1024xf32>
    %add3A_76 = arith.addf %add3A_74, %add3A_75 : vector<280x1024xf32>
    %reduce_min3A_77 = arith.constant dense<0x7F800000> : vector<280xf32>
    %reduce_min3A_78 = vector.multi_reduction <minimumf>, %add3A_76, %reduce_min3A_77 [1] : vector<280x1024xf32> to vector<280xf32>
    %broadcast_in_dim3A_79 = vector.shape_cast %reduce_min3A_78 : vector<280xf32> to vector<280x1xf32>
    %eq3A_80 = vector.broadcast %broadcast_in_dim3A_79 : vector<280x1xf32> to vector<280x1024xf32>
    %eq3A_81 = arith.cmpf oeq, %add3A_76, %eq3A_80 : vector<280x1024xf32>
    %jit3A_82 = arith.constant 2.000000e+00 : f32
    %broadcast_in_dim3A_83 = vector.broadcast %jit3A_82 : f32 to vector<280x1024xf32>
    %select_n3A_84 = arith.select %eq3A_81, %bitcast_convert_type3A, %broadcast_in_dim3A_83 : vector<280x1024xi1>, vector<280x1024xf32>
    %reduce_min3A_85 = arith.constant dense<0x7F800000> : vector<280xf32>
    %reduce_min3A_86 = vector.multi_reduction <minimumf>, %select_n3A_84, %reduce_min3A_85 [1] : vector<280x1024xf32> to vector<280xf32>
    %broadcast_in_dim3A_87 = vector.shape_cast %reduce_min3A_86 : vector<280xf32> to vector<280x1xf32>
    %bitcast_convert_type3A_88 = tpu.bitcast %broadcast_in_dim3A_87 : vector<280x1xf32> -> vector<280x1xi32>
    %sub3A_89 = arith.constant 1065353216 : i32
    %sub3A_90 = vector.broadcast %sub3A_89 : i32 to vector<280x1xi32>
    %sub3A_91 = arith.subi %bitcast_convert_type3A_88, %sub3A_90 : vector<280x1xi32>
    %slice3A_92 = vector.extract_strided_slice %add3A_12 {offsets = [0, 192], sizes = [280, 64], strides = [1, 1]} : vector<280x448xf32> to vector<280x64xf32>
    %dot_general3A_93 = arith.constant dense<0.000000e+00> : vector<280x1024xf32>
    %dot_general3A_94 = tpu.matmul %slice3A_92, %mul3A_14, %dot_general3A_93 {dimension_numbers = #tpu.dot_dimension_numbers<[1], [1], [0], [0], [0, 0, 1, 0], [], []>, transpose_lhs_hint = false} : vector<280x64xf32>, vector<1024x64xf32>, vector<280x1024xf32> -> vector<280x1024xf32>
    %mul3A_95 = arith.mulf %slice3A_92, %slice3A_92 : vector<280x64xf32>
    %reduce_sum3A_96 = arith.constant dense<0.000000e+00> : vector<280xf32>
    %reduce_sum3A_97 = vector.multi_reduction <add>, %mul3A_95, %reduce_sum3A_96 [1] : vector<280x64xf32> to vector<280xf32>
    %broadcast_in_dim3A_98 = vector.shape_cast %reduce_sum3A_97 : vector<280xf32> to vector<280x1xf32>
    %add3A_99 = vector.broadcast %broadcast_in_dim3A_98 : vector<280x1xf32> to vector<280x1024xf32>
    %add3A_100 = arith.addf %add3A_99, %dot_general3A_94 : vector<280x1024xf32>
    %add3A_101 = vector.broadcast %broadcast_in_dim3A : vector<1x1024xf32> to vector<280x1024xf32>
    %add3A_102 = arith.addf %add3A_100, %add3A_101 : vector<280x1024xf32>
    %reduce_min3A_103 = arith.constant dense<0x7F800000> : vector<280xf32>
    %reduce_min3A_104 = vector.multi_reduction <minimumf>, %add3A_102, %reduce_min3A_103 [1] : vector<280x1024xf32> to vector<280xf32>
    %broadcast_in_dim3A_105 = vector.shape_cast %reduce_min3A_104 : vector<280xf32> to vector<280x1xf32>
    %eq3A_106 = vector.broadcast %broadcast_in_dim3A_105 : vector<280x1xf32> to vector<280x1024xf32>
    %eq3A_107 = arith.cmpf oeq, %add3A_102, %eq3A_106 : vector<280x1024xf32>
    %jit3A_108 = arith.constant 2.000000e+00 : f32
    %broadcast_in_dim3A_109 = vector.broadcast %jit3A_108 : f32 to vector<280x1024xf32>
    %select_n3A_110 = arith.select %eq3A_107, %bitcast_convert_type3A, %broadcast_in_dim3A_109 : vector<280x1024xi1>, vector<280x1024xf32>
    %reduce_min3A_111 = arith.constant dense<0x7F800000> : vector<280xf32>
    %reduce_min3A_112 = vector.multi_reduction <minimumf>, %select_n3A_110, %reduce_min3A_111 [1] : vector<280x1024xf32> to vector<280xf32>
    %broadcast_in_dim3A_113 = vector.shape_cast %reduce_min3A_112 : vector<280xf32> to vector<280x1xf32>
    %bitcast_convert_type3A_114 = tpu.bitcast %broadcast_in_dim3A_113 : vector<280x1xf32> -> vector<280x1xi32>
    %sub3A_115 = arith.constant 1065353216 : i32
    %sub3A_116 = vector.broadcast %sub3A_115 : i32 to vector<280x1xi32>
    %sub3A_117 = arith.subi %bitcast_convert_type3A_114, %sub3A_116 : vector<280x1xi32>
    %slice3A_118 = vector.extract_strided_slice %add3A_12 {offsets = [0, 256], sizes = [280, 64], strides = [1, 1]} : vector<280x448xf32> to vector<280x64xf32>
    %dot_general3A_119 = arith.constant dense<0.000000e+00> : vector<280x1024xf32>
    %dot_general3A_120 = tpu.matmul %slice3A_118, %mul3A_14, %dot_general3A_119 {dimension_numbers = #tpu.dot_dimension_numbers<[1], [1], [0], [0], [0, 0, 1, 0], [], []>, transpose_lhs_hint = false} : vector<280x64xf32>, vector<1024x64xf32>, vector<280x1024xf32> -> vector<280x1024xf32>
    %mul3A_121 = arith.mulf %slice3A_118, %slice3A_118 : vector<280x64xf32>
    %reduce_sum3A_122 = arith.constant dense<0.000000e+00> : vector<280xf32>
    %reduce_sum3A_123 = vector.multi_reduction <add>, %mul3A_121, %reduce_sum3A_122 [1] : vector<280x64xf32> to vector<280xf32>
    %broadcast_in_dim3A_124 = vector.shape_cast %reduce_sum3A_123 : vector<280xf32> to vector<280x1xf32>
    %add3A_125 = vector.broadcast %broadcast_in_dim3A_124 : vector<280x1xf32> to vector<280x1024xf32>
    %add3A_126 = arith.addf %add3A_125, %dot_general3A_120 : vector<280x1024xf32>
    %add3A_127 = vector.broadcast %broadcast_in_dim3A : vector<1x1024xf32> to vector<280x1024xf32>
    %add3A_128 = arith.addf %add3A_126, %add3A_127 : vector<280x1024xf32>
    %reduce_min3A_129 = arith.constant dense<0x7F800000> : vector<280xf32>
    %reduce_min3A_130 = vector.multi_reduction <minimumf>, %add3A_128, %reduce_min3A_129 [1] : vector<280x1024xf32> to vector<280xf32>
    %broadcast_in_dim3A_131 = vector.shape_cast %reduce_min3A_130 : vector<280xf32> to vector<280x1xf32>
    %eq3A_132 = vector.broadcast %broadcast_in_dim3A_131 : vector<280x1xf32> to vector<280x1024xf32>
    %eq3A_133 = arith.cmpf oeq, %add3A_128, %eq3A_132 : vector<280x1024xf32>
    %jit3A_134 = arith.constant 2.000000e+00 : f32
    %broadcast_in_dim3A_135 = vector.broadcast %jit3A_134 : f32 to vector<280x1024xf32>
    %select_n3A_136 = arith.select %eq3A_133, %bitcast_convert_type3A, %broadcast_in_dim3A_135 : vector<280x1024xi1>, vector<280x1024xf32>
    %reduce_min3A_137 = arith.constant dense<0x7F800000> : vector<280xf32>
    %reduce_min3A_138 = vector.multi_reduction <minimumf>, %select_n3A_136, %reduce_min3A_137 [1] : vector<280x1024xf32> to vector<280xf32>
    %broadcast_in_dim3A_139 = vector.shape_cast %reduce_min3A_138 : vector<280xf32> to vector<280x1xf32>
    %bitcast_convert_type3A_140 = tpu.bitcast %broadcast_in_dim3A_139 : vector<280x1xf32> -> vector<280x1xi32>
    %sub3A_141 = arith.constant 1065353216 : i32
    %sub3A_142 = vector.broadcast %sub3A_141 : i32 to vector<280x1xi32>
    %sub3A_143 = arith.subi %bitcast_convert_type3A_140, %sub3A_142 : vector<280x1xi32>
    %slice3A_144 = vector.extract_strided_slice %add3A_12 {offsets = [0, 320], sizes = [280, 64], strides = [1, 1]} : vector<280x448xf32> to vector<280x64xf32>
    %dot_general3A_145 = arith.constant dense<0.000000e+00> : vector<280x1024xf32>
    %dot_general3A_146 = tpu.matmul %slice3A_144, %mul3A_14, %dot_general3A_145 {dimension_numbers = #tpu.dot_dimension_numbers<[1], [1], [0], [0], [0, 0, 1, 0], [], []>, transpose_lhs_hint = false} : vector<280x64xf32>, vector<1024x64xf32>, vector<280x1024xf32> -> vector<280x1024xf32>
    %mul3A_147 = arith.mulf %slice3A_144, %slice3A_144 : vector<280x64xf32>
    %reduce_sum3A_148 = arith.constant dense<0.000000e+00> : vector<280xf32>
    %reduce_sum3A_149 = vector.multi_reduction <add>, %mul3A_147, %reduce_sum3A_148 [1] : vector<280x64xf32> to vector<280xf32>
    %broadcast_in_dim3A_150 = vector.shape_cast %reduce_sum3A_149 : vector<280xf32> to vector<280x1xf32>
    %add3A_151 = vector.broadcast %broadcast_in_dim3A_150 : vector<280x1xf32> to vector<280x1024xf32>
    %add3A_152 = arith.addf %add3A_151, %dot_general3A_146 : vector<280x1024xf32>
    %add3A_153 = vector.broadcast %broadcast_in_dim3A : vector<1x1024xf32> to vector<280x1024xf32>
    %add3A_154 = arith.addf %add3A_152, %add3A_153 : vector<280x1024xf32>
    %reduce_min3A_155 = arith.constant dense<0x7F800000> : vector<280xf32>
    %reduce_min3A_156 = vector.multi_reduction <minimumf>, %add3A_154, %reduce_min3A_155 [1] : vector<280x1024xf32> to vector<280xf32>
    %broadcast_in_dim3A_157 = vector.shape_cast %reduce_min3A_156 : vector<280xf32> to vector<280x1xf32>
    %eq3A_158 = vector.broadcast %broadcast_in_dim3A_157 : vector<280x1xf32> to vector<280x1024xf32>
    %eq3A_159 = arith.cmpf oeq, %add3A_154, %eq3A_158 : vector<280x1024xf32>
    %jit3A_160 = arith.constant 2.000000e+00 : f32
    %broadcast_in_dim3A_161 = vector.broadcast %jit3A_160 : f32 to vector<280x1024xf32>
    %select_n3A_162 = arith.select %eq3A_159, %bitcast_convert_type3A, %broadcast_in_dim3A_161 : vector<280x1024xi1>, vector<280x1024xf32>
    %reduce_min3A_163 = arith.constant dense<0x7F800000> : vector<280xf32>
    %reduce_min3A_164 = vector.multi_reduction <minimumf>, %select_n3A_162, %reduce_min3A_163 [1] : vector<280x1024xf32> to vector<280xf32>
    %broadcast_in_dim3A_165 = vector.shape_cast %reduce_min3A_164 : vector<280xf32> to vector<280x1xf32>
    %bitcast_convert_type3A_166 = tpu.bitcast %broadcast_in_dim3A_165 : vector<280x1xf32> -> vector<280x1xi32>
    %sub3A_167 = arith.constant 1065353216 : i32
    %sub3A_168 = vector.broadcast %sub3A_167 : i32 to vector<280x1xi32>
    %sub3A_169 = arith.subi %bitcast_convert_type3A_166, %sub3A_168 : vector<280x1xi32>
    %slice3A_170 = vector.extract_strided_slice %add3A_12 {offsets = [0, 384], sizes = [280, 64], strides = [1, 1]} : vector<280x448xf32> to vector<280x64xf32>
    %dot_general3A_171 = arith.constant dense<0.000000e+00> : vector<280x1024xf32>
    %dot_general3A_172 = tpu.matmul %slice3A_170, %mul3A_14, %dot_general3A_171 {dimension_numbers = #tpu.dot_dimension_numbers<[1], [1], [0], [0], [0, 0, 1, 0], [], []>, transpose_lhs_hint = false} : vector<280x64xf32>, vector<1024x64xf32>, vector<280x1024xf32> -> vector<280x1024xf32>
    %mul3A_173 = arith.mulf %slice3A_170, %slice3A_170 : vector<280x64xf32>
    %reduce_sum3A_174 = arith.constant dense<0.000000e+00> : vector<280xf32>
    %reduce_sum3A_175 = vector.multi_reduction <add>, %mul3A_173, %reduce_sum3A_174 [1] : vector<280x64xf32> to vector<280xf32>
    %broadcast_in_dim3A_176 = vector.shape_cast %reduce_sum3A_175 : vector<280xf32> to vector<280x1xf32>
    %add3A_177 = vector.broadcast %broadcast_in_dim3A_176 : vector<280x1xf32> to vector<280x1024xf32>
    %add3A_178 = arith.addf %add3A_177, %dot_general3A_172 : vector<280x1024xf32>
    %add3A_179 = vector.broadcast %broadcast_in_dim3A : vector<1x1024xf32> to vector<280x1024xf32>
    %add3A_180 = arith.addf %add3A_178, %add3A_179 : vector<280x1024xf32>
    %reduce_min3A_181 = arith.constant dense<0x7F800000> : vector<280xf32>
    %reduce_min3A_182 = vector.multi_reduction <minimumf>, %add3A_180, %reduce_min3A_181 [1] : vector<280x1024xf32> to vector<280xf32>
    %broadcast_in_dim3A_183 = vector.shape_cast %reduce_min3A_182 : vector<280xf32> to vector<280x1xf32>
    %eq3A_184 = vector.broadcast %broadcast_in_dim3A_183 : vector<280x1xf32> to vector<280x1024xf32>
    %eq3A_185 = arith.cmpf oeq, %add3A_180, %eq3A_184 : vector<280x1024xf32>
    %jit3A_186 = arith.constant 2.000000e+00 : f32
    %broadcast_in_dim3A_187 = vector.broadcast %jit3A_186 : f32 to vector<280x1024xf32>
    %select_n3A_188 = arith.select %eq3A_185, %bitcast_convert_type3A, %broadcast_in_dim3A_187 : vector<280x1024xi1>, vector<280x1024xf32>
    %reduce_min3A_189 = arith.constant dense<0x7F800000> : vector<280xf32>
    %reduce_min3A_190 = vector.multi_reduction <minimumf>, %select_n3A_188, %reduce_min3A_189 [1] : vector<280x1024xf32> to vector<280xf32>
    %broadcast_in_dim3A_191 = vector.shape_cast %reduce_min3A_190 : vector<280xf32> to vector<280x1xf32>
    %bitcast_convert_type3A_192 = tpu.bitcast %broadcast_in_dim3A_191 : vector<280x1xf32> -> vector<280x1xi32>
    %sub3A_193 = arith.constant 1065353216 : i32
    %sub3A_194 = vector.broadcast %sub3A_193 : i32 to vector<280x1xi32>
    %sub3A_195 = arith.subi %bitcast_convert_type3A_192, %sub3A_194 : vector<280x1xi32>
    %concatenate3A = tpu.concatenate %sub3A_39, %sub3A_65, %sub3A_91, %sub3A_117, %sub3A_143, %sub3A_169, %sub3A_195 in 1 : vector<280x1xi32>, vector<280x1xi32>, vector<280x1xi32>, vector<280x1xi32>, vector<280x1xi32>, vector<280x1xi32>, vector<280x1xi32> -> vector<280x7xi32>
    %swap3A = arith.constant 0 : index
    %swap3A_196 = arith.constant 0 : index
    %swap3A_197 = vector.load %arg5[%swap3A, %swap3A_196] : memref<280x7xi32, #tpu.memory_space<vmem>>, vector<280x7xi32>
    tpu.vector_store %arg5[%swap3A, %swap3A_196], %concatenate3A {strides = array<i32>} : memref<280x7xi32, #tpu.memory_space<vmem>>, vector<280x7xi32>,
    return
  }
  func.func @transform_0(%arg0: i32) -> (i32, i32) {
    %c0_i32 = arith.constant 0 : i32
    %c0_i32_0 = arith.constant 0 : i32
    return %arg0, %c0_i32 : i32, i32
  }
  func.func @transform_1(%arg0: i32) -> (i32, i32) {
    %c0_i32 = arith.constant 0 : i32
    %c0_i32_0 = arith.constant 0 : i32
    %c0_i32_1 = arith.constant 0 : i32
    return %c0_i32, %c0_i32_0 : i32, i32
  }
  func.func @transform_2(%arg0: i32) -> (i32, i32) {
    %c0_i32 = arith.constant 0 : i32
    %c0_i32_0 = arith.constant 0 : i32
    %c0_i32_1 = arith.constant 0 : i32
    return %c0_i32, %c0_i32_0 : i32, i32
  }
  func.func @transform_3(%arg0: i32) -> (i32, i32) {
    %c0_i32 = arith.constant 0 : i32
    %c0_i32_0 = arith.constant 0 : i32
    %c0_i32_1 = arith.constant 0 : i32
    return %c0_i32, %c0_i32_0 : i32, i32
  }
  func.func @transform_4(%arg0: i32) -> (i32, i32) {
    %c0_i32 = arith.constant 0 : i32
    %c0_i32_0 = arith.constant 0 : i32
    return %arg0, %c0_i32 : i32, i32
  }
}

</mosaic_0001>

<sc_bundles>
// kernel: kernel.4.cloned.1.call-start
scs
__scs_entry_jumppad:
0x0: {  	(pc) =	sbr.rel $0x88, $3  }
0x1: {  	(tag) =	ssettag $0x0;
	lr =	simm.s32 $0x1  }
0x2: {  	[smem:$0x3F9D] =	sst lr;
	_ =	strace $0xD0000000  }
0x3: {  	_ = 	snop  }
0x4: {  	_ = 	snop  }
0x5: {  	_ = 	snop  }
0x6: {  	_ = 	snop  }
0x7: {  	_ = 	snop  }
__scs_overlays_trampoline_lowered:
0x8: {  	[smem:$0x3FAC] =	sst s0  }
0x9: {  	[smem:$0x3FAD] =	sst s1  }
0xa: {  	[smem:$0x3FAE] =	sst s2  }
0xb: {  	[smem:$0x3FAF] =	sst s3  }
0xc: {  	[smem:$0x3FB0] =	sst s4  }
0xd: {  	[smem:$0x3FB1] =	sst s5  }
0xe: {  	[smem:$0x3FB2] =	sst s6  }
0xf: {  	[smem:$0x3FB3] =	sst s7  }
0x10: {  	[smem:$0x3FB4] =	sst s8  }
0x11: {  	[smem:$0x3FB5] =	sst s9;
	s0 =	simm.s32 @!p0 $0x0  }
0x12: {  	s1 =	sld [smem:$0x3F9B];
	s0 =	simm.s32 @p0 $0x1  }
0x13: {  	[smem:$0x3FB6] =	sst s0;
	s0 =	simm.s32 @!p1 $0x0  }
0x14: {  	s2 =	sld [smem:$0x3F9A];
	s0 =	simm.s32 @p1 $0x1  }
0x15: {  	[smem:$0x3FB7] =	sst s0;
	s0 =	simm.s32 @!p2 $0x0  }
0x16: {  	s3 =	sld [smem:$0x3FDB];
	s0 =	simm.s32 @p2 $0x1  }
0x17: {  	s4 =	simm.s32 $0x1BF5;
	[smem:$0x3FB9] =	sst s0  }
0x18: {  	s0 =	sld [smem:$0x3F9C];
	_ =	swait.ge [sflag:s4], $0x0  }
0x19: {  	s7 =	sld [smem:$0x3F9D]  }
0x1a: {  	s8 =	sadd.s32 $0xFFFFE003, lr  }
0x1b: {  	s9 =	sadd.s32 $0xFFFFFEF7, lr;
	s5 =	simm.s32 $0xFFFFFFFF;
	p2 =	slt.u32 s8, $0xFFFFF086  }
0x1c: {  	p1 =	slt.u32 s9, $0xF7A;
	s5 =	simm.s32 @!p2 $0x0  }
0x1d: {  	s5 =	simm.s32 @p1 $0x1;
	p0 =	seq.s32 s7, s2  }
0x1e: {  	s7 =	smul.u32 @!p0 $0xF7A, s2;
	p2 =	seq.s32 @!p0 s5, $0x0  }
0x1f: {  	s9 =	smul.u32 $0xF7A, s1;
	s8 =	simm.s32 @!p0 $0x1BF5;
	p2 =	por !p2, p0  }
0x20: {  	[sflag:s8] =	ssyncset.s32 @!p0 $0xFFFFF086;
	s6 =	sadd.s32 @!p0 s3, s7;
	s7 =	simm.s32 @!p0 $0x108  }
0x21: {  	s3 =	sadd.s32 s3, s9;
	s6 =	sadd.s32 @!p0 $0x88, s6;
	s7 =	simm.s32 @p2 $0x1082  }
0x22: {  	[simem:s7], [sflag:s8] =	dma.local @!p0 [hbm:s6], $0xF7A  }
0x23: {  	s9 =	sor.u32 $0xD0000000, s2;
	s6 =	simm.s32 $0x108;
	_ =	swait.ge @!p0 [sflag:s8], $0x0  }
0x24: {  	s3 =	sadd.s32 $0x88, s3;
	s6 =	simm.s32 @!p1 $0x1082;
	[sflag:s4] =	ssyncset.s32 $0xFFFFF086  }
0x25: {  	[simem:s6], [sflag:s4] =	dma.local [hbm:s3], $0xF7A  }
0x26: {  	[smem:$0x3F9D] =	sst s1;
	(tag) =	ssettag s2;
	_ =	strace s9  }
0x27: {  	s1 =	sld [smem:$0x3FAD]  }
0x28: {  	s2 =	sld [smem:$0x3FAE]  }
0x29: {  	s4 =	sld [smem:$0x3FB0]  }
0x2a: {  	p0 =	seq.s32 s5, $0x0;
	s5 =	sld [smem:$0x3FB1]  }
0x2b: {  	s6 =	sld [smem:$0x3FB2]  }
0x2c: {  	s7 =	sld [smem:$0x3FB3]  }
0x2d: {  	s3 =	simm.s32 $0x108;
	s8 =	sld [smem:$0x3FB4]  }
0x2e: {  	s3 =	simm.s32 @!p0 $0x1082;
	s9 =	sld [smem:$0x3FB5]  }
0x2f: {  	lr =	sadd.s32 s0, s3;
	s0 =	sld [smem:$0x3FAC]  }
0x30: {  	s3 =	sld [smem:$0x3FAF]  }
0x31: {  	[smem:$0x3FB8] =	sst s10  }
0x32: {  	s10 =	sld [smem:$0x3FB6];
	_ =	sdelay $0x3  }
0x33: {  	p0 =	seq.s32 s10, $0x1;
	s10 =	sld [smem:$0x3FB8];
	_ =	sdelay $0x3  }
0x34: {  	[smem:$0x3FB8] =	sst s10  }
0x35: {  	s10 =	sld [smem:$0x3FB7];
	_ =	sdelay $0x3  }
0x36: {  	p1 =	seq.s32 s10, $0x1;
	s10 =	sld [smem:$0x3FB8];
	_ =	sdelay $0x3  }
0x37: {  	[smem:$0x3FB8] =	sst s10  }
0x38: {  	s10 =	sld [smem:$0x3FB9]  }
0x39: {  	_ = 	snop;
	(pc) =	sbr.ind lr, $3  }
0x3a: {  	_ = 	snop  }
0x3b: {  	_ = 	snop  }
0x3c: {  	p2 =	seq.s32 s10, $0x1;
	s10 =	sld [smem:$0x3FB8]  }
0x3d: {  	_ =	shalt  }
0x3e: {  	_ =	shalt  }
0x3f: {  	_ =	shalt  }
0x40: {  	_ =	shalt  }
0x41: {  	_ =	shalt  }
0x42: {  	_ =	shalt  }
0x43: {  	_ =	shalt  }
0x44: {  	_ =	shalt  }
0x45: {  	_ =	shalt  }
0x46: {  	_ =	shalt  }
0x47: {  	_ =	shalt  }
0x48: {  	_ =	shalt  }
0x49: {  	_ =	shalt  }
0x4a: {  	_ =	shalt  }
0x4b: {  	_ =	shalt  }
0x4c: {  	_ =	shalt  }
0x4d: {  	_ =	shalt  }
0x4e: {  	_ =	shalt  }
0x4f: {  	_ =	shalt  }
0x50: {  	_ =	shalt  }
0x51: {  	_ =	shalt  }
0x52: {  	_ =	shalt  }
0x53: {  	_ =	shalt  }
0x54: {  	_ =	shalt  }
0x55: {  	_ =	shalt  }
0x56: {  	_ =	shalt  }
0x57: {  	_ =	shalt  }
0x58: {  	_ =	shalt  }
0x59: {  	_ =	shalt  }
0x5a: {  	_ =	shalt  }
0x5b: {  	_ =	shalt  }
0x5c: {  	_ =	shalt  }
0x5d: {  	_ =	shalt  }
0x5e: {  	_ =	shalt  }
0x5f: {  	_ =	shalt  }
0x60: {  	_ =	shalt  }
0x61: {  	_ =	shalt  }
0x62: {  	_ =	shalt  }
0x63: {  	_ =	shalt  }
0x64: {  	_ =	shalt  }
0x65: {  	_ =	shalt  }
0x66: {  	_ =	shalt  }
0x67: {  	_ =	shalt  }
0x68: {  	_ =	shalt  }
0x69: {  	_ =	shalt  }
0x6a: {  	_ =	shalt  }
0x6b: {  	_ =	shalt  }
0x6c: {  	_ =	shalt  }
0x6d: {  	_ =	shalt  }
0x6e: {  	_ =	shalt  }
0x6f: {  	_ =	shalt  }
0x70: {  	_ =	shalt  }
0x71: {  	_ =	shalt  }
0x72: {  	_ =	shalt  }
0x73: {  	_ =	shalt  }
0x74: {  	_ =	shalt  }
0x75: {  	_ =	shalt  }
0x76: {  	_ =	shalt  }
0x77: {  	_ =	shalt  }
0x78: {  	_ =	shalt  }
0x79: {  	_ =	shalt  }
0x7a: {  	_ =	shalt  }
0x7b: {  	_ =	shalt  }
0x7c: {  	_ =	shalt  }
0x7d: {  	_ =	shalt  }
0x7e: {  	_ =	shalt  }
0x7f: {  	_ =	shalt  }
0x80: {  	_ =	shalt  }
0x81: {  	_ =	shalt  }
0x82: {  	_ =	shalt  }
0x83: {  	_ =	shalt  }
0x84: {  	_ =	shalt  }
0x85: {  	_ =	shalt  }
0x86: {  	_ =	shalt  }
0x87: {  	_ =	shalt  }
.Lfunc_end0:
.L_simem_size_0:
called_computation_lowered:
.L_overlay_start_0:
0x88: {  	s2 =	sld [smem:$0x3FD9]  }
0x89: {  	s3 =	sld [smem:$0x3FFE];
	_ =	sdelay $0x1  }
0x8a: {  	s1 =	srdreg.scid  }
0x8b: {  	s0 =	sand.u32 $0x1, s1  }
0x8c: {  	s14 =	sshll.u32 s0, $0xA;
	s2 =	sadd.s32 s3, s2  }
0x8d: {  	s2 =	sadd.s32 s2, s14  }
0x8e: {  	[smem:$0x3FC4] =	sst s2  }
0x8f: {  	_ = 	snop  }
0x90: {  	s2 =	sld [smem:$0x3FD0];
	_ =	sdelay $0x2  }
0x91: {  	s15 =	simm.s32 $0xA;
	s4 =	simm.s32 $0x10  }
0x92: {  	[smem:s4], [sflag:s15] =	dma.local [hbm:s2], $0x1  }
0x93: {  	_ =	swait.eq [sflag:s15], $0x1  }
0x94: {  	[sflag:s15] =	ssyncset.done $0x0  }
0x95: {  	[sflag:s15] =	ssyncadd.s32 $0xFFFFFFFF  }
0x96: {  	s16 =	sld [smem:$0x10];
	(tm) =	ssettm $0x1  }
0x97: {  	s17 =	sld [smem:$0x3FFB];
	_ =	sdelay $0x3  }
0x98: {  	_ =	strace s17  }
0x99: {  	s3 =	sld [smem:$0x3FFC];
	_ =	sdelay $0x3  }
0x9a: {  	_ =	strace s3  }
0x9b: {  	s3 =	sld [smem:$0x3FFD];
	_ =	sdelay $0x3  }
0x9c: {  	_ =	strace s3  }
0x9d: {  	_ =	strace $0x8FFFFFFF  }
0x9e: {  	s18 =	sld [smem:$0x3FDB];
	_ =	sdelay $0x1  }
0x9f: {  	s19 =	simm.s32 $_scs_section_size  }
0xa0: {  	s5 =	simm.s32 $_size__tile_overlayer_lowered;
	s6 =	simm.s32 $_tile_overlayer_lowered  }
0xa1: {  	s22 =	simm.s32 $0x1BFF;
	s21 =	sshll.u32 s6, $0x1;
	s3 =	sadd.s32 s19, s18  }
0xa2: {  	s7 =	simm.s32 $0x0;
	s20 =	sshll.u32 s5, $0x1;
	s5 =	sadd.s32 s21, s3  }
0xa3: {  	[timem:s7], [sflag:s22] =	dma.local [hbm:s5], s20  }
0xa4: {  	_ =	swait.ge [sflag:s22], s20  }
0xa5: {  	s4 =	ssub.s32 $0x0, s20;
	[sflag:s22] =	ssyncset.done $0x0  }
0xa6: {  	[sflag:s22] =	ssyncadd.s32 s4;
	_ =	sdelay $0x1  }
0xa7: {  	s23 =	simm.s32 $0x1B8B  }
0xa8: {  	_ =	swait.ge [sflag:s23], $0x1  }
0xa9: {  	[sflag:s23] =	ssyncset.done $0x0  }
0xaa: {  	s25 =	simm.s32 $0x1B8E;
	s24 =	sld [smem:$0x3FFE];
	[sflag:s23] =	ssyncadd.s32 $0xFFFFFFFF  }
0xab: {  	s26 =	simm.s32 $execute0_lowered;
	[smem:$0x3FD2] =	sst s25  }
0xac: {  	s5 =	sshll.u32 s26, $0x1;
	_ =	strace $0x80000046;
	[dreg:$0x1] =	wrdreg $0xFFFFFFFF  }
0xad: {  	s28 =	simm.s32 $_size_execute0_lowered;
	s3 =	sadd.s32 s3, s5;
	[dreg:$0x0] =	wrdreg $0x0  }
0xae: {  	s5 =	sshll.u32 s28, $0x1;
	[dreg:$0x2] =	wrdreg s3  }
0xaf: {  	[dreg:$0x3] =	wrdreg s5  }
0xb0: {  	[dreg:$0x4] =	wrdreg $0xC0  }
0xb1: {  	_ =	task [dreg:s7], $0x5FFFF  }
0xb2: {  	[dreg:$0x1] =	wrdreg $0xFFFFFFFF  }
0xb3: {  	[dreg:$0x0] =	wrdreg $0x60  }
0xb4: {  	[dreg:$0x2] =	wrdreg s16  }
0xb5: {  	[dreg:$0x3] =	wrdreg s24  }
0xb6: {  	[dreg:$0x4] =	wrdreg $0x9  }
0xb7: {  	_ =	task.clear_ibuf [dreg:s7], $0x5FFFF;
	_ =	strace $0x90000046  }
0xb8: {  	s29 =	simm.s32 $0x9;
	_ =	strace $0x80000048  }
0xb9: {  	_ =	swait.ge [sflag:s29], $0x1  }
0xba: {  	[sflag:s29] =	ssyncadd.s32 $0xFFFFFFFF  }
0xbb: {  	_ =	strace $0x90000048  }
0xbc: {  	_ =	sfence  }
0xbd: {  	s30 =	sld [smem:$0x0];
	_ =	sdelay $0x2  }
0xbe: {  	s31 =	sshll.u32 s1, $0xD;
	s1 =	sshrl.u32 s1, $0x2  }
0xbf: {  	s3 =	sand.u32 $0x4000, s31;
	s1 =	sadd.s32 s1, s30  }
0xc0: {  	s0 =	sor.u32 s3, s0;
	s1 =	sshll.u32 s1, $0x11  }
0xc1: {  	s0 =	sor.u32 s1, s0  }
0xc2: {  	s0 =	sadd.s32 $0x8F2B, s0  }
0xc3: {  	[sflag:s0] =	ssyncadd.remote.s32 $0x1  }
0xc4: {  	_ =	sfence.sel $0xFFFF  }
0xc5: {  	[dreg:$0x0] =	wrdreg $0xFFFFFFFF;
	(pc) =	sbr.abs _section_cstart, $3  }
0xc6: {  	[dreg:$0x1] =	wrdreg $0xFFFFFFFF  }
0xc7: {  	_ =	task.clear_ibuf [dreg:s7], $0x2FFFF;
	_ =	strace $0x9FFFFFFF  }
0xc8: {  	(tm) =	ssettm $0x7FFFFFFF  }
0xc9: {  	_ =	shalt  }
tec
execute0_lowered:
.L_overlay_start_1:
0x0: {  	(tag) =	ssettag $0x1  }
0x1: {  	s1 =	srdreg.scid;
	s0 =	stileid.u32  }
0x2: {  	s2 =	rddreg [dreg:$0x0];
	s16 =	sand.u32 $0x1, s1;
	s29 =	sshll.u32 s0, $0x1  }
0x3: {  	s17 =	rddreg [dreg:$0x1];
	s18 =	sor.u32 s16, s29  }
0x4: {  	s3 =	simm.s32 $0x0;
	s1 =	rddreg [dreg:$0x2];
	s4 =	sshll.u32 s18, $0x7  }
0x5: {  	[smem:$0x7FF] =	sst s3;
	s4 =	sadd.s32 s4, s17  }
0x6: {  	_ =	strace $0x80000047;
	s5 =	sadd.s32 $0xC00, s4;
	s4 =	simm.s32 $0x2  }
0x7: {  	[tilespmem:s3], [sflag:$0x2] =	stream.linear.gather [hbm4b:s5+s3], $0x400, $0x38;
	[tilespmem:$0x14400] =	vst v63  }
0x8: {  	_ =	swait.ge [sflag:s4], $0x400  }
0x9: {  	[sflag:s4] =	ssyncset.done $0x0  }
0xa: {  	s6 =	simm.s32 $0x80;
	s7 =	simm.s32 $0x400;
	[sflag:s4] =	ssyncadd.s32 $0xFFFFFC00  }
0xb: {  	[tilespmem:s7], [sflag:$0x1] =	stream.indirect.gather [hbm4b:s2+s6], $0x80, s3, s6, $0xb8;
	[tilespmem:$0x14400] =	vst v63  }
0xc: {  	s8 =	simm.s32 $0x4400  }
0xd: {  	[tilespmem:s8], [sflag:$0x1] =	stream.indirect.gather [hbm4b:s2+s6], $0x80, s6, s6, $0xb8;
	[tilespmem:$0x14400] =	vst v63  }
0xe: {  	s9 =	simm.s32 $0x100;
	s10 =	simm.s32 $0x8400  }
0xf: {  	[tilespmem:s10], [sflag:$0x1] =	stream.indirect.gather [hbm4b:s2+s6], $0x80, s9, s6, $0xb8;
	[tilespmem:$0x14400] =	vst v63  }
0x10: {  	s11 =	simm.s32 $0x180;
	s12 =	simm.s32 $0xC400  }
0x11: {  	[tilespmem:s12], [sflag:$0x1] =	stream.indirect.gather [hbm4b:s2+s6], $0x80, s11, s6, $0xb8;
	[tilespmem:$0x14400] =	vst v63  }
0x12: {  	s13 =	simm.s32 $0x200;
	s14 =	simm.s32 $0x10400;
	s15 =	simm.s32 $0x1  }
0x13: {  	[tilespmem:s14], [sflag:$0x1] =	stream.indirect.gather [hbm4b:s2+s6], $0x80, s13, s6, $0xb8;
	[tilespmem:$0x14400] =	vst v63  }
0x14: {  	_ =	swait.ge [sflag:s15], $0x4000  }
0x15: {  	[sflag:s15] =	ssyncset.done $0x0  }
0x16: {  	[sflag:s15] =	ssyncadd.s32 $0xFFFFC000  }
0x17: {  	_ =	swait.ge [sflag:s15], $0x4000  }
0x18: {  	[sflag:s15] =	ssyncset.done $0x0  }
0x19: {  	[sflag:s15] =	ssyncadd.s32 $0xFFFFC000  }
0x1a: {  	_ =	swait.ge [sflag:s15], $0x4000  }
0x1b: {  	[sflag:s15] =	ssyncset.done $0x0  }
0x1c: {  	s16 =	ssub.s32 $0x2, s16;
	[sflag:s15] =	ssyncadd.s32 $0xFFFFC000  }
0x1d: {  	s19 =	sshrl.u32 s16, $0x1;
	_ =	swait.ge [sflag:s15], $0x4000  }
0x1e: {  	s30 =	ssub.s32 s16, s19;
	[sflag:s15] =	ssyncset.done $0x0  }
0x1f: {  	s18 =	smul.u32 $0x2800, s18;
	s31 =	smax.u32 s30, $0x1;
	[sflag:s15] =	ssyncadd.s32 $0xFFFFC000  }
0x20: {  	p0 =	sne.s32 s31, $0x1;
	_ =	swait.ge [sflag:s15], $0x4000  }
.Ltmp0:
0x21: {  	s17 =	sadd.s32 s18, s17;
	[sflag:s15] =	ssyncset.done $0x0;
	(pc) =	sbr.rel @!p0 .LBB2_2-.Ltmp0, $4  }
0x22: {  	s16 =	sadd.s32 $0x1C00, s17;
	[sflag:s15] =	ssyncadd.s32 $0xFFFFC000  }
0x23: {  	[hbm4b:s16+s3] =	stream.linear.scatter [tilespmem:s7], [sflag:$0x2], $0x14000, $0x38;
	[tilespmem:$0x14400] =	vst v63  }
0x24: {  	_ =	swait.ge [sflag:s4], $0x14000  }
0x25: {  	s17 =	sadd.s32 $0xFFFFFFFF, s31;
	[sflag:s4] =	ssyncset.done $0x0  }
.LBB2_1:
0x26: {  	p0 =	sne.s32 s17, $0x1;
	s17 =	sadd.s32 $0xFFFFFFFF, s17;
	[sflag:s4] =	ssyncadd.s32 $0xFFFEC000  }
0x27: {  	[tilespmem:s3], [sflag:$0x2] =	stream.linear.gather [hbm4b:s5+s3], $0x400, $0x38;
	[tilespmem:$0x14400] =	vst v63  }
0x28: {  	_ =	swait.ge [sflag:s4], $0x400  }
0x29: {  	[sflag:s4] =	ssyncset.done $0x0  }
0x2a: {  	[sflag:s4] =	ssyncadd.s32 $0xFFFFFC00  }
0x2b: {  	[tilespmem:s7], [sflag:$0x1] =	stream.indirect.gather [hbm4b:s2+s6], $0x80, s3, s6, $0xb8;
	[tilespmem:$0x14400] =	vst v63  }
0x2c: {  	_ = 	snop  }
0x2d: {  	[tilespmem:s8], [sflag:$0x1] =	stream.indirect.gather [hbm4b:s2+s6], $0x80, s6, s6, $0xb8;
	[tilespmem:$0x14400] =	vst v63  }
0x2e: {  	_ = 	snop  }
0x2f: {  	[tilespmem:s10], [sflag:$0x1] =	stream.indirect.gather [hbm4b:s2+s6], $0x80, s9, s6, $0xb8;
	[tilespmem:$0x14400] =	vst v63  }
0x30: {  	_ = 	snop  }
0x31: {  	[tilespmem:s12], [sflag:$0x1] =	stream.indirect.gather [hbm4b:s2+s6], $0x80, s11, s6, $0xb8;
	[tilespmem:$0x14400] =	vst v63  }
0x32: {  	_ = 	snop  }
0x33: {  	[tilespmem:s14], [sflag:$0x1] =	stream.indirect.gather [hbm4b:s2+s6], $0x80, s13, s6, $0xb8;
	[tilespmem:$0x14400] =	vst v63  }
0x34: {  	_ =	swait.ge [sflag:s15], $0x4000  }
0x35: {  	[sflag:s15] =	ssyncset.done $0x0  }
0x36: {  	[sflag:s15] =	ssyncadd.s32 $0xFFFFC000  }
0x37: {  	_ =	swait.ge [sflag:s15], $0x4000  }
0x38: {  	[sflag:s15] =	ssyncset.done $0x0  }
0x39: {  	[sflag:s15] =	ssyncadd.s32 $0xFFFFC000  }
0x3a: {  	_ =	swait.ge [sflag:s15], $0x4000  }
0x3b: {  	[sflag:s15] =	ssyncset.done $0x0  }
0x3c: {  	[sflag:s15] =	ssyncadd.s32 $0xFFFFC000  }
0x3d: {  	_ =	swait.ge [sflag:s15], $0x4000  }
0x3e: {  	[sflag:s15] =	ssyncset.done $0x0  }
0x3f: {  	[sflag:s15] =	ssyncadd.s32 $0xFFFFC000  }
0x40: {  	_ =	swait.ge [sflag:s15], $0x4000  }
.Ltmp1:
0x41: {  	[sflag:s15] =	ssyncset.done $0x0;
	(pc) =	sbr.rel @p0 .LBB2_1-.Ltmp1, $4  }
0x42: {  	[sflag:s15] =	ssyncadd.s32 $0xFFFFC000  }
0x43: {  	[hbm4b:s16+s3] =	stream.linear.scatter [tilespmem:s7], [sflag:$0x2], $0x14000, $0x38;
	[tilespmem:$0x14400] =	vst v63  }
0x44: {  	_ =	swait.ge [sflag:s4], $0x14000  }
0x45: {  	[sflag:s4] =	ssyncset.done $0x0  }
.LBB2_2:
0x46: {  	[sflag:s4] =	ssyncadd.s32 $0xFFFEC000  }
0x47: {  	_ =	sfence.sel $0x180000  }
0x48: {  	[bflag:$0x0] =	sbarrier.arrive $0xFFFF  }
0x49: {  	p0 =	sne.s32 s0, $0x0;
	_ =	strace $0x90000047  }
0x4a: {  	s0 =	sadd.s32 @!p0 $0x100000, s1;
	[bflag:$0x2] =	sbarrier.arrive $0xFFFF  }
0x4b: {  	[sflag:s0] =	ssyncadd.tile.s32 @!p0 $0x1;
	_ =	shalt  }
.Lfunc_end2:
_tile_overlayer_lowered:
.L_overlay_start_2:
0x4c: {  	(tag) =	ssettag $0x2  }
0x4d: {  	s0 =	rddreg [dreg:$0x0];
	s2 =	stileid.u32  }
0x4e: {  	s1 =	rddreg [dreg:$0x1];
	p0 =	sne.s32 s2, $0x0  }
0x4f: {  	s3 =	rddreg [dreg:$0x2];
	[bflag:$0x3] =	sbarrier.arrive $0xFFFF;
	s2 =	simm.s32 @!p0 $0x1C02  }
0x50: {  	[timem:s3], [sflag:s2] =	dma.local @!p0 [hbm:s0], s1  }
0x51: {  	s0 =	simm.s32 @!p0 $0x2  }
0x52: {  	_ =	swait.ge @!p0 [sflag:s0], s1  }
0x53: {  	s1 =	ssub.s32 @!p0 $0x0, s1;
	[sflag:s0] =	ssyncset.done @!p0 $0x0  }
0x54: {  	[sflag:s0] =	ssyncadd.s32 @!p0 s1  }
0x55: {  	[bflag:$0x3] =	sbarrier.arrive $0xFFFF  }
0x56: {  	_ =	shalt  }

</sc_bundles>
